<compile_context>
chip_gen: v7x
topology: tpu7x:2x2x1
jax: 0.10.2.dev20260603
libtpu: 0.0.44.dev20260713+nightly
codegen_flags: <defaults>
</compile_context>

<pallas_src>
import functools

import jax
import jax.numpy as jnp
from jax import lax
from jax.experimental import pallas as pl
from jax.experimental.pallas import tpu as pltpu
from jax.experimental.pallas import tpu_sc as plsc

B = 4096
C = 128



@functools.lru_cache(maxsize=None)
def _make_gather():
    info = plsc.get_sparse_core_info()
    num_cores = 1
    nw = num_cores * info.num_subcores
    b_per_w = B // nw
    mesh = plsc.VectorSubcoreMesh(
        core_axis_name="c", subcore_axis_name="s", num_cores=num_cores)

    @functools.partial(
        pl.kernel,
        mesh=mesh,
        out_type=jax.ShapeDtypeStruct((B, C), jnp.float32),
        scratch_types=[
            pltpu.VMEM((b_per_w,), jnp.int32),
            pltpu.VMEM((b_per_w, C), jnp.float32),
            pltpu.SemaphoreType.DMA,
            pltpu.SemaphoreType.DMA,
        ],
    )
    def gather_k(idx_hbm, table_hbm, out_hbm, idx_v, rows_v, gsem, wsem):
        wid = lax.axis_index("s") * num_cores + lax.axis_index("c")
        base = wid * b_per_w
        nck = 4
        ck = b_per_w // nck
        pltpu.sync_copy(idx_hbm.at[pl.ds(base, b_per_w)], idx_v)
        gathers = [
            pltpu.async_copy(
                table_hbm.at[idx_v.at[pl.ds(ck * j, ck)]],
                rows_v.at[pl.ds(ck * j, ck)],
                gsem,
            )
            for j in range(nck)
        ]
        writes = []
        for j in range(nck):
            gathers[j].wait()
            writes.append(
                pltpu.async_copy(
                    rows_v.at[pl.ds(ck * j, ck)],
                    out_hbm.at[pl.ds(base + ck * j, ck)],
                    wsem,
                )
            )
        for w in writes:
            w.wait()

    return gather_k



def _lnfc_body(emb_ref, ln_w_ref, ln_b_ref, fc_w_ref, fc_b_ref, out_ref):
    e = emb_ref[...]
    mean = jnp.mean(e, axis=-1, keepdims=True)
    var = jnp.mean((e - mean) ** 2, axis=-1, keepdims=True)
    normed = (e - mean) * lax.rsqrt(var + 1e-6)
    normed = normed * ln_w_ref[...] + ln_b_ref[...]
    out = lax.dot_general(
        normed, fc_w_ref[...], (((1,), (1,)), ((), ())),
        preferred_element_type=jnp.float32)
    out_ref[...] = out + fc_b_ref[...]


def _lnfc(emb, ln_w, ln_b, fc_w, fc_b):
    nblk = 2
    rows = B // nblk
    return pl.pallas_call(
        _lnfc_body,
        grid=(nblk,),
        in_specs=[
            pl.BlockSpec((rows, C), lambda i: (i, 0)),
            pl.BlockSpec((C,), lambda i: (0,)),
            pl.BlockSpec((C,), lambda i: (0,)),
            pl.BlockSpec((C, C), lambda i: (0, 0)),
            pl.BlockSpec((C,), lambda i: (0,)),
        ],
        out_specs=pl.BlockSpec((rows, C), lambda i: (i, 0)),
        out_shape=jax.ShapeDtypeStruct((B, C), jnp.float32),
    )(emb, ln_w, ln_b, fc_w, fc_b)


def kernel(x, table, ln_w, ln_b, fc_w, fc_b):
    idx = x[:, 0].astype(jnp.int32)
    emb = _make_gather()(idx, table)
    return _lnfc(emb, ln_w, ln_b, fc_w, fc_b)

# --- scband reference (transcript-rebuilt; emitter-appended) ---
"""Pipeline reference for scband-flux-union-control-net-mode-embedder-69879117906190 (READ-ONLY COPY).

The authoritative reference and input builder live on the scoring server;
editing this copy changes nothing except your own understanding.
"""

import jax, jax.numpy as jnp
import numpy as np

NUM_MODE = 100000
OUT_CHANNELS = 128
B = 4096
L = 50

def setup_inputs(seed: int = 0) -> dict:
    key = jax.random.key(seed)
    k_x, k_tab, k_lnw, k_fcw, k_fcb = jax.random.split(key, 5)
    x = jax.random.randint(k_x, (B, L), 0, NUM_MODE, dtype=jnp.int64)
    table = jax.random.normal(k_tab, (NUM_MODE, OUT_CHANNELS), dtype=jnp.float32)
    ln_w = jnp.ones((OUT_CHANNELS,), dtype=jnp.float32)
    ln_b = jnp.zeros((OUT_CHANNELS,), dtype=jnp.float32)
    bound = 1.0 / np.sqrt(OUT_CHANNELS)
    fc_w = jax.random.uniform(k_fcw, (OUT_CHANNELS, OUT_CHANNELS), minval=-bound, maxval=bound, dtype=jnp.float32)
    fc_b = jax.random.uniform(k_fcb, (OUT_CHANNELS,), minval=-bound, maxval=bound, dtype=jnp.float32)
    return {"x": x, "table": table, "ln_w": ln_w, "ln_b": ln_b, "fc_w": fc_w, "fc_b": fc_b}

def reference(x, table, ln_w, ln_b, fc_w, fc_b):
    # embedding lookup (gather)
    emb = jnp.take(table, x, axis=0)  # [B, L, C]
    # LayerNorm over last dim, eps=1e-6
    mean = jnp.mean(emb, axis=-1, keepdims=True)
    var = jnp.var(emb, axis=-1, keepdims=True)
    normed = (emb - mean) / jnp.sqrt(var + 1e-6)
    normed = normed * ln_w + ln_b
    # Linear
    out = jnp.einsum('blc,oc->blo', normed, fc_w) + fc_b
    # select first position along dim 1
    return out[:, 0]

if __name__ == "__main__":
    import jax
    _d = setup_inputs()
    print(jax.jit(kernel)(*tuple(_d.values())))

</pallas_src>

<mosaic_0001>
#map = affine_map<(d0, d1) -> (0)>
#map1 = affine_map<(d0, d1) -> (0, 0)>
module attributes {stable_mosaic.version = 14 : i64} {
  func.func @gather_k(%arg0: i32, %arg1: i32, %arg2: memref<4096xi32, #tpu.memory_space<hbm>>, %arg3: memref<100000x128xf32, #tpu.memory_space<hbm>>, %arg4: memref<4096x128xf32, #tpu.memory_space<hbm>>, %arg5: memref<256xi32, #tpu.memory_space<vmem>>, %arg6: memref<256x128xf32, #tpu.memory_space<vmem>>, %arg7: memref<!tpu.dma_semaphore, #tpu.memory_space<semaphore_mem>>, %arg8: memref<!tpu.dma_semaphore, #tpu.memory_space<semaphore_mem>>) attributes {dimension_semantics = [#tpu.dimension_semantics<core_parallel>, #tpu.dimension_semantics<subcore_parallel>], iteration_bounds = array<i64: 1, 16>, scalar_prefetch = 0 : i64, scratch_operands = 4 : i64, tpu.core_type = #tpu.core_type<sc_vector_subcore>, window_params = [{transform_indices = #map}, {transform_indices = #map1}, {transform_indices = #map1}]} {
    %mul3A = arith.constant 1 : i32
    %mul3A_0 = arith.muli %arg1, %mul3A : i32
    %add3A = arith.addi %mul3A_0, %arg0 : i32
    %mul3A_1 = arith.constant 256 : i32
    %mul3A_2 = arith.muli %add3A, %mul3A_1 : i32
    "tpu.region"() ({
      %run_scoped3A = tpu.sem_alloc : memref<!tpu.dma_semaphore, #tpu.memory_space<semaphore_mem>>
      %dma_start3A_153 = tpu.memref_slice %arg2[%mul3A_2] : memref<4096xi32, #tpu.memory_space<hbm>> -> memref<256xi32, #tpu.memory_space<hbm>>
      %dma_start3A_154 = tpu.memref_slice %arg2[%mul3A_2] : memref<4096xi32, #tpu.memory_space<hbm>> -> memref<256xi32, #tpu.memory_space<hbm>>
      tpu.enqueue_dma source(%dma_start3A_154 : memref<256xi32, #tpu.memory_space<hbm>>) target(%arg5 : memref<256xi32, #tpu.memory_space<vmem>>) target_semaphore(%run_scoped3A : memref<!tpu.dma_semaphore, #tpu.memory_space<semaphore_mem>>)
      %dma_wait3A_155 = tpu.memref_slice %arg2[%mul3A_2] : memref<4096xi32, #tpu.memory_space<hbm>> -> memref<256xi32, #tpu.memory_space<hbm>>
      %dma_wait3A_156 = tpu.memref_slice %arg2[%mul3A_2] : memref<4096xi32, #tpu.memory_space<hbm>> -> memref<256xi32, #tpu.memory_space<hbm>>
      tpu.wait_dma2 semaphore(%run_scoped3A : memref<!tpu.dma_semaphore, #tpu.memory_space<semaphore_mem>>) src(%dma_wait3A_156 : memref<256xi32, #tpu.memory_space<hbm>>) dst(%arg5 : memref<256xi32, #tpu.memory_space<vmem>>)
      tpu.yield
    }) : () -> ()
    %dma_start3A = arith.constant 0 : i32
    %dma_start3A_3 = arith.constant 0 : i32
    %dma_start3A_4 = tpu.memref_slice %arg6[%dma_start3A, %dma_start3A_3] : memref<256x128xf32, #tpu.memory_space<vmem>> -> memref<64x128xf32, #tpu.memory_space<vmem>>
    %dma_start3A_5 = arith.constant 0 : i32
    %dma_start3A_6 = tpu.memref_slice %arg5[%dma_start3A_5] : memref<256xi32, #tpu.memory_space<vmem>> -> memref<64xi32, #tpu.memory_space<vmem>>
    %dma_start3A_7 = arith.constant 0 : i32
    %dma_start3A_8 = arith.constant 0 : i32
    %dma_start3A_9 = tpu.memref_slice %arg3[%dma_start3A_7, %dma_start3A_8] : memref<100000x128xf32, #tpu.memory_space<hbm>> -> memref<100000x128xf32, #tpu.memory_space<hbm>>
    tpu.enqueue_indirect_dma source(%dma_start3A_9 : memref<100000x128xf32, #tpu.memory_space<hbm>>) target(%dma_start3A_4 : memref<64x128xf32, #tpu.memory_space<vmem>>) offsets(%dma_start3A_6 : memref<64xi32, #tpu.memory_space<vmem>>) semaphore(%arg7 : memref<!tpu.dma_semaphore, #tpu.memory_space<semaphore_mem>>)
    %dma_start3A_10 = arith.constant 64 : i32
    %dma_start3A_11 = arith.constant 0 : i32
    %dma_start3A_12 = tpu.memref_slice %arg6[%dma_start3A_10, %dma_start3A_11] : memref<256x128xf32, #tpu.memory_space<vmem>> -> memref<64x128xf32, #tpu.memory_space<vmem>>
    %dma_start3A_13 = arith.constant 64 : i32
    %dma_start3A_14 = tpu.memref_slice %arg5[%dma_start3A_13] : memref<256xi32, #tpu.memory_space<vmem>> -> memref<64xi32, #tpu.memory_space<vmem>>
    %dma_start3A_15 = arith.constant 0 : i32
    %dma_start3A_16 = arith.constant 0 : i32
    %dma_start3A_17 = tpu.memref_slice %arg3[%dma_start3A_15, %dma_start3A_16] : memref<100000x128xf32, #tpu.memory_space<hbm>> -> memref<100000x128xf32, #tpu.memory_space<hbm>>
    tpu.enqueue_indirect_dma source(%dma_start3A_17 : memref<100000x128xf32, #tpu.memory_space<hbm>>) target(%dma_start3A_12 : memref<64x128xf32, #tpu.memory_space<vmem>>) offsets(%dma_start3A_14 : memref<64xi32, #tpu.memory_space<vmem>>) semaphore(%arg7 : memref<!tpu.dma_semaphore, #tpu.memory_space<semaphore_mem>>)
    %dma_start3A_18 = arith.constant 128 : i32
    %dma_start3A_19 = arith.constant 0 : i32
    %dma_start3A_20 = tpu.memref_slice %arg6[%dma_start3A_18, %dma_start3A_19] : memref<256x128xf32, #tpu.memory_space<vmem>> -> memref<64x128xf32, #tpu.memory_space<vmem>>
    %dma_start3A_21 = arith.constant 128 : i32
    %dma_start3A_22 = tpu.memref_slice %arg5[%dma_start3A_21] : memref<256xi32, #tpu.memory_space<vmem>> -> memref<64xi32, #tpu.memory_space<vmem>>
    %dma_start3A_23 = arith.constant 0 : i32
    %dma_start3A_24 = arith.constant 0 : i32
    %dma_start3A_25 = tpu.memref_slice %arg3[%dma_start3A_23, %dma_start3A_24] : memref<100000x128xf32, #tpu.memory_space<hbm>> -> memref<100000x128xf32, #tpu.memory_space<hbm>>
    tpu.enqueue_indirect_dma source(%dma_start3A_25 : memref<100000x128xf32, #tpu.memory_space<hbm>>) target(%dma_start3A_20 : memref<64x128xf32, #tpu.memory_space<vmem>>) offsets(%dma_start3A_22 : memref<64xi32, #tpu.memory_space<vmem>>) semaphore(%arg7 : memref<!tpu.dma_semaphore, #tpu.memory_space<semaphore_mem>>)
    %dma_start3A_26 = arith.constant 192 : i32
    %dma_start3A_27 = arith.constant 0 : i32
    %dma_start3A_28 = tpu.memref_slice %arg6[%dma_start3A_26, %dma_start3A_27] : memref<256x128xf32, #tpu.memory_space<vmem>> -> memref<64x128xf32, #tpu.memory_space<vmem>>
    %dma_start3A_29 = arith.constant 192 : i32
    %dma_start3A_30 = tpu.memref_slice %arg5[%dma_start3A_29] : memref<256xi32, #tpu.memory_space<vmem>> -> memref<64xi32, #tpu.memory_space<vmem>>
    %dma_start3A_31 = arith.constant 0 : i32
    %dma_start3A_32 = arith.constant 0 : i32
    %dma_start3A_33 = tpu.memref_slice %arg3[%dma_start3A_31, %dma_start3A_32] : memref<100000x128xf32, #tpu.memory_space<hbm>> -> memref<100000x128xf32, #tpu.memory_space<hbm>>
    tpu.enqueue_indirect_dma source(%dma_start3A_33 : memref<100000x128xf32, #tpu.memory_space<hbm>>) target(%dma_start3A_28 : memref<64x128xf32, #tpu.memory_space<vmem>>) offsets(%dma_start3A_30 : memref<64xi32, #tpu.memory_space<vmem>>) semaphore(%arg7 : memref<!tpu.dma_semaphore, #tpu.memory_space<semaphore_mem>>)
    %dma_wait3A = arith.constant 0 : i32
    %dma_wait3A_34 = arith.constant 0 : i32
    %dma_wait3A_35 = tpu.memref_slice %arg6[%dma_wait3A, %dma_wait3A_34] : memref<256x128xf32, #tpu.memory_space<vmem>> -> memref<64x128xf32, #tpu.memory_space<vmem>>
    %dma_wait3A_36 = arith.constant 0 : i32
    %dma_wait3A_37 = tpu.memref_slice %arg5[%dma_wait3A_36] : memref<256xi32, #tpu.memory_space<vmem>> -> memref<64xi32, #tpu.memory_space<vmem>>
    %dma_wait3A_38 = arith.constant 0 : i32
    %dma_wait3A_39 = arith.constant 0 : i32
    %dma_wait3A_40 = tpu.memref_slice %arg3[%dma_wait3A_38, %dma_wait3A_39] : memref<100000x128xf32, #tpu.memory_space<hbm>> -> memref<100000x128xf32, #tpu.memory_space<hbm>>
    tpu.wait_indirect_dma semaphore(%arg7 : memref<!tpu.dma_semaphore, #tpu.memory_space<semaphore_mem>>) src(%dma_wait3A_40 : memref<100000x128xf32, #tpu.memory_space<hbm>>) dst(%dma_wait3A_35 : memref<64x128xf32, #tpu.memory_space<vmem>>)
    %add3A_41 = arith.constant 0 : i32
    %add3A_42 = arith.addi %mul3A_2, %add3A_41 : i32
    %dma_start3A_43 = arith.constant 0 : i32
    %dma_start3A_44 = arith.constant 0 : i32
    %dma_start3A_45 = tpu.memref_slice %arg6[%dma_start3A_43, %dma_start3A_44] : memref<256x128xf32, #tpu.memory_space<vmem>> -> memref<64x128xf32, #tpu.memory_space<vmem>>
    %dma_start3A_46 = arith.constant 0 : i32
    %dma_start3A_47 = tpu.memref_slice %arg4[%add3A_42, %dma_start3A_46] : memref<4096x128xf32, #tpu.memory_space<hbm>> -> memref<64x128xf32, #tpu.memory_space<hbm>>
    %dma_start3A_48 = arith.constant 0 : i32
    %dma_start3A_49 = tpu.memref_slice %arg4[%add3A_42, %dma_start3A_48] : memref<4096x128xf32, #tpu.memory_space<hbm>> -> memref<64x128xf32, #tpu.memory_space<hbm>>
    %dma_start3A_50 = arith.constant 0 : i32
    %dma_start3A_51 = arith.constant 0 : i32
    %dma_start3A_52 = tpu.memref_slice %arg6[%dma_start3A_50, %dma_start3A_51] : memref<256x128xf32, #tpu.memory_space<vmem>> -> memref<64x128xf32, #tpu.memory_space<vmem>>
    tpu.enqueue_dma source(%dma_start3A_52 : memref<64x128xf32, #tpu.memory_space<vmem>>) target(%dma_start3A_49 : memref<64x128xf32, #tpu.memory_space<hbm>>) target_semaphore(%arg8 : memref<!tpu.dma_semaphore, #tpu.memory_space<semaphore_mem>>)
    %dma_wait3A_53 = arith.constant 64 : i32
    %dma_wait3A_54 = arith.constant 0 : i32
    %dma_wait3A_55 = tpu.memref_slice %arg6[%dma_wait3A_53, %dma_wait3A_54] : memref<256x128xf32, #tpu.memory_space<vmem>> -> memref<64x128xf32, #tpu.memory_space<vmem>>
    %dma_wait3A_56 = arith.constant 64 : i32
    %dma_wait3A_57 = tpu.memref_slice %arg5[%dma_wait3A_56] : memref<256xi32, #tpu.memory_space<vmem>> -> memref<64xi32, #tpu.memory_space<vmem>>
    %dma_wait3A_58 = arith.constant 0 : i32
    %dma_wait3A_59 = arith.constant 0 : i32
    %dma_wait3A_60 = tpu.memref_slice %arg3[%dma_wait3A_58, %dma_wait3A_59] : memref<100000x128xf32, #tpu.memory_space<hbm>> -> memref<100000x128xf32, #tpu.memory_space<hbm>>
    tpu.wait_indirect_dma semaphore(%arg7 : memref<!tpu.dma_semaphore, #tpu.memory_space<semaphore_mem>>) src(%dma_wait3A_60 : memref<100000x128xf32, #tpu.memory_space<hbm>>) dst(%dma_wait3A_55 : memref<64x128xf32, #tpu.memory_space<vmem>>)
    %add3A_61 = arith.constant 64 : i32
    %add3A_62 = arith.addi %mul3A_2, %add3A_61 : i32
    %dma_start3A_63 = arith.constant 64 : i32
    %dma_start3A_64 = arith.constant 0 : i32
    %dma_start3A_65 = tpu.memref_slice %arg6[%dma_start3A_63, %dma_start3A_64] : memref<256x128xf32, #tpu.memory_space<vmem>> -> memref<64x128xf32, #tpu.memory_space<vmem>>
    %dma_start3A_66 = arith.constant 0 : i32
    %dma_start3A_67 = tpu.memref_slice %arg4[%add3A_62, %dma_start3A_66] : memref<4096x128xf32, #tpu.memory_space<hbm>> -> memref<64x128xf32, #tpu.memory_space<hbm>>
    %dma_start3A_68 = arith.constant 0 : i32
    %dma_start3A_69 = tpu.memref_slice %arg4[%add3A_62, %dma_start3A_68] : memref<4096x128xf32, #tpu.memory_space<hbm>> -> memref<64x128xf32, #tpu.memory_space<hbm>>
    %dma_start3A_70 = arith.constant 64 : i32
    %dma_start3A_71 = arith.constant 0 : i32
    %dma_start3A_72 = tpu.memref_slice %arg6[%dma_start3A_70, %dma_start3A_71] : memref<256x128xf32, #tpu.memory_space<vmem>> -> memref<64x128xf32, #tpu.memory_space<vmem>>
    tpu.enqueue_dma source(%dma_start3A_72 : memref<64x128xf32, #tpu.memory_space<vmem>>) target(%dma_start3A_69 : memref<64x128xf32, #tpu.memory_space<hbm>>) target_semaphore(%arg8 : memref<!tpu.dma_semaphore, #tpu.memory_space<semaphore_mem>>)
    %dma_wait3A_73 = arith.constant 128 : i32
    %dma_wait3A_74 = arith.constant 0 : i32
    %dma_wait3A_75 = tpu.memref_slice %arg6[%dma_wait3A_73, %dma_wait3A_74] : memref<256x128xf32, #tpu.memory_space<vmem>> -> memref<64x128xf32, #tpu.memory_space<vmem>>
    %dma_wait3A_76 = arith.constant 128 : i32
    %dma_wait3A_77 = tpu.memref_slice %arg5[%dma_wait3A_76] : memref<256xi32, #tpu.memory_space<vmem>> -> memref<64xi32, #tpu.memory_space<vmem>>
    %dma_wait3A_78 = arith.constant 0 : i32
    %dma_wait3A_79 = arith.constant 0 : i32
    %dma_wait3A_80 = tpu.memref_slice %arg3[%dma_wait3A_78, %dma_wait3A_79] : memref<100000x128xf32, #tpu.memory_space<hbm>> -> memref<100000x128xf32, #tpu.memory_space<hbm>>
    tpu.wait_indirect_dma semaphore(%arg7 : memref<!tpu.dma_semaphore, #tpu.memory_space<semaphore_mem>>) src(%dma_wait3A_80 : memref<100000x128xf32, #tpu.memory_space<hbm>>) dst(%dma_wait3A_75 : memref<64x128xf32, #tpu.memory_space<vmem>>)
    %add3A_81 = arith.constant 128 : i32
    %add3A_82 = arith.addi %mul3A_2, %add3A_81 : i32
    %dma_start3A_83 = arith.constant 128 : i32
    %dma_start3A_84 = arith.constant 0 : i32
    %dma_start3A_85 = tpu.memref_slice %arg6[%dma_start3A_83, %dma_start3A_84] : memref<256x128xf32, #tpu.memory_space<vmem>> -> memref<64x128xf32, #tpu.memory_space<vmem>>
    %dma_start3A_86 = arith.constant 0 : i32
    %dma_start3A_87 = tpu.memref_slice %arg4[%add3A_82, %dma_start3A_86] : memref<4096x128xf32, #tpu.memory_space<hbm>> -> memref<64x128xf32, #tpu.memory_space<hbm>>
    %dma_start3A_88 = arith.constant 0 : i32
    %dma_start3A_89 = tpu.memref_slice %arg4[%add3A_82, %dma_start3A_88] : memref<4096x128xf32, #tpu.memory_space<hbm>> -> memref<64x128xf32, #tpu.memory_space<hbm>>
    %dma_start3A_90 = arith.constant 128 : i32
    %dma_start3A_91 = arith.constant 0 : i32
    %dma_start3A_92 = tpu.memref_slice %arg6[%dma_start3A_90, %dma_start3A_91] : memref<256x128xf32, #tpu.memory_space<vmem>> -> memref<64x128xf32, #tpu.memory_space<vmem>>
    tpu.enqueue_dma source(%dma_start3A_92 : memref<64x128xf32, #tpu.memory_space<vmem>>) target(%dma_start3A_89 : memref<64x128xf32, #tpu.memory_space<hbm>>) target_semaphore(%arg8 : memref<!tpu.dma_semaphore, #tpu.memory_space<semaphore_mem>>)
    %dma_wait3A_93 = arith.constant 192 : i32
    %dma_wait3A_94 = arith.constant 0 : i32
    %dma_wait3A_95 = tpu.memref_slice %arg6[%dma_wait3A_93, %dma_wait3A_94] : memref<256x128xf32, #tpu.memory_space<vmem>> -> memref<64x128xf32, #tpu.memory_space<vmem>>
    %dma_wait3A_96 = arith.constant 192 : i32
    %dma_wait3A_97 = tpu.memref_slice %arg5[%dma_wait3A_96] : memref<256xi32, #tpu.memory_space<vmem>> -> memref<64xi32, #tpu.memory_space<vmem>>
    %dma_wait3A_98 = arith.constant 0 : i32
    %dma_wait3A_99 = arith.constant 0 : i32
    %dma_wait3A_100 = tpu.memref_slice %arg3[%dma_wait3A_98, %dma_wait3A_99] : memref<100000x128xf32, #tpu.memory_space<hbm>> -> memref<100000x128xf32, #tpu.memory_space<hbm>>
    tpu.wait_indirect_dma semaphore(%arg7 : memref<!tpu.dma_semaphore, #tpu.memory_space<semaphore_mem>>) src(%dma_wait3A_100 : memref<100000x128xf32, #tpu.memory_space<hbm>>) dst(%dma_wait3A_95 : memref<64x128xf32, #tpu.memory_space<vmem>>)
    %add3A_101 = arith.constant 192 : i32
    %add3A_102 = arith.addi %mul3A_2, %add3A_101 : i32
    %dma_start3A_103 = arith.constant 192 : i32
    %dma_start3A_104 = arith.constant 0 : i32
    %dma_start3A_105 = tpu.memref_slice %arg6[%dma_start3A_103, %dma_start3A_104] : memref<256x128xf32, #tpu.memory_space<vmem>> -> memref<64x128xf32, #tpu.memory_space<vmem>>
    %dma_start3A_106 = arith.constant 0 : i32
    %dma_start3A_107 = tpu.memref_slice %arg4[%add3A_102, %dma_start3A_106] : memref<4096x128xf32, #tpu.memory_space<hbm>> -> memref<64x128xf32, #tpu.memory_space<hbm>>
    %dma_start3A_108 = arith.constant 0 : i32
    %dma_start3A_109 = tpu.memref_slice %arg4[%add3A_102, %dma_start3A_108] : memref<4096x128xf32, #tpu.memory_space<hbm>> -> memref<64x128xf32, #tpu.memory_space<hbm>>
    %dma_start3A_110 = arith.constant 192 : i32
    %dma_start3A_111 = arith.constant 0 : i32
    %dma_start3A_112 = tpu.memref_slice %arg6[%dma_start3A_110, %dma_start3A_111] : memref<256x128xf32, #tpu.memory_space<vmem>> -> memref<64x128xf32, #tpu.memory_space<vmem>>
    tpu.enqueue_dma source(%dma_start3A_112 : memref<64x128xf32, #tpu.memory_space<vmem>>) target(%dma_start3A_109 : memref<64x128xf32, #tpu.memory_space<hbm>>) target_semaphore(%arg8 : memref<!tpu.dma_semaphore, #tpu.memory_space<semaphore_mem>>)
    %dma_wait3A_113 = arith.constant 0 : i32
    %dma_wait3A_114 = arith.constant 0 : i32
    %dma_wait3A_115 = tpu.memref_slice %arg6[%dma_wait3A_113, %dma_wait3A_114] : memref<256x128xf32, #tpu.memory_space<vmem>> -> memref<64x128xf32, #tpu.memory_space<vmem>>
    %dma_wait3A_116 = arith.constant 0 : i32
    %dma_wait3A_117 = tpu.memref_slice %arg4[%add3A_42, %dma_wait3A_116] : memref<4096x128xf32, #tpu.memory_space<hbm>> -> memref<64x128xf32, #tpu.memory_space<hbm>>
    %dma_wait3A_118 = arith.constant 0 : i32
    %dma_wait3A_119 = tpu.memref_slice %arg4[%add3A_42, %dma_wait3A_118] : memref<4096x128xf32, #tpu.memory_space<hbm>> -> memref<64x128xf32, #tpu.memory_space<hbm>>
    %dma_wait3A_120 = arith.constant 0 : i32
    %dma_wait3A_121 = arith.constant 0 : i32
    %dma_wait3A_122 = tpu.memref_slice %arg6[%dma_wait3A_120, %dma_wait3A_121] : memref<256x128xf32, #tpu.memory_space<vmem>> -> memref<64x128xf32, #tpu.memory_space<vmem>>
    tpu.wait_dma2 semaphore(%arg8 : memref<!tpu.dma_semaphore, #tpu.memory_space<semaphore_mem>>) src(%dma_wait3A_122 : memref<64x128xf32, #tpu.memory_space<vmem>>) dst(%dma_wait3A_119 : memref<64x128xf32, #tpu.memory_space<hbm>>)
    %dma_wait3A_123 = arith.constant 64 : i32
    %dma_wait3A_124 = arith.constant 0 : i32
    %dma_wait3A_125 = tpu.memref_slice %arg6[%dma_wait3A_123, %dma_wait3A_124] : memref<256x128xf32, #tpu.memory_space<vmem>> -> memref<64x128xf32, #tpu.memory_space<vmem>>
    %dma_wait3A_126 = arith.constant 0 : i32
    %dma_wait3A_127 = tpu.memref_slice %arg4[%add3A_62, %dma_wait3A_126] : memref<4096x128xf32, #tpu.memory_space<hbm>> -> memref<64x128xf32, #tpu.memory_space<hbm>>
    %dma_wait3A_128 = arith.constant 0 : i32
    %dma_wait3A_129 = tpu.memref_slice %arg4[%add3A_62, %dma_wait3A_128] : memref<4096x128xf32, #tpu.memory_space<hbm>> -> memref<64x128xf32, #tpu.memory_space<hbm>>
    %dma_wait3A_130 = arith.constant 64 : i32
    %dma_wait3A_131 = arith.constant 0 : i32
    %dma_wait3A_132 = tpu.memref_slice %arg6[%dma_wait3A_130, %dma_wait3A_131] : memref<256x128xf32, #tpu.memory_space<vmem>> -> memref<64x128xf32, #tpu.memory_space<vmem>>
    tpu.wait_dma2 semaphore(%arg8 : memref<!tpu.dma_semaphore, #tpu.memory_space<semaphore_mem>>) src(%dma_wait3A_132 : memref<64x128xf32, #tpu.memory_space<vmem>>) dst(%dma_wait3A_129 : memref<64x128xf32, #tpu.memory_space<hbm>>)
    %dma_wait3A_133 = arith.constant 128 : i32
    %dma_wait3A_134 = arith.constant 0 : i32
    %dma_wait3A_135 = tpu.memref_slice %arg6[%dma_wait3A_133, %dma_wait3A_134] : memref<256x128xf32, #tpu.memory_space<vmem>> -> memref<64x128xf32, #tpu.memory_space<vmem>>
    %dma_wait3A_136 = arith.constant 0 : i32
    %dma_wait3A_137 = tpu.memref_slice %arg4[%add3A_82, %dma_wait3A_136] : memref<4096x128xf32, #tpu.memory_space<hbm>> -> memref<64x128xf32, #tpu.memory_space<hbm>>
    %dma_wait3A_138 = arith.constant 0 : i32
    %dma_wait3A_139 = tpu.memref_slice %arg4[%add3A_82, %dma_wait3A_138] : memref<4096x128xf32, #tpu.memory_space<hbm>> -> memref<64x128xf32, #tpu.memory_space<hbm>>
    %dma_wait3A_140 = arith.constant 128 : i32
    %dma_wait3A_141 = arith.constant 0 : i32
    %dma_wait3A_142 = tpu.memref_slice %arg6[%dma_wait3A_140, %dma_wait3A_141] : memref<256x128xf32, #tpu.memory_space<vmem>> -> memref<64x128xf32, #tpu.memory_space<vmem>>
    tpu.wait_dma2 semaphore(%arg8 : memref<!tpu.dma_semaphore, #tpu.memory_space<semaphore_mem>>) src(%dma_wait3A_142 : memref<64x128xf32, #tpu.memory_space<vmem>>) dst(%dma_wait3A_139 : memref<64x128xf32, #tpu.memory_space<hbm>>)
    %dma_wait3A_143 = arith.constant 192 : i32
    %dma_wait3A_144 = arith.constant 0 : i32
    %dma_wait3A_145 = tpu.memref_slice %arg6[%dma_wait3A_143, %dma_wait3A_144] : memref<256x128xf32, #tpu.memory_space<vmem>> -> memref<64x128xf32, #tpu.memory_space<vmem>>
    %dma_wait3A_146 = arith.constant 0 : i32
    %dma_wait3A_147 = tpu.memref_slice %arg4[%add3A_102, %dma_wait3A_146] : memref<4096x128xf32, #tpu.memory_space<hbm>> -> memref<64x128xf32, #tpu.memory_space<hbm>>
    %dma_wait3A_148 = arith.constant 0 : i32
    %dma_wait3A_149 = tpu.memref_slice %arg4[%add3A_102, %dma_wait3A_148] : memref<4096x128xf32, #tpu.memory_space<hbm>> -> memref<64x128xf32, #tpu.memory_space<hbm>>
    %dma_wait3A_150 = arith.constant 192 : i32
    %dma_wait3A_151 = arith.constant 0 : i32
    %dma_wait3A_152 = tpu.memref_slice %arg6[%dma_wait3A_150, %dma_wait3A_151] : memref<256x128xf32, #tpu.memory_space<vmem>> -> memref<64x128xf32, #tpu.memory_space<vmem>>
    tpu.wait_dma2 semaphore(%arg8 : memref<!tpu.dma_semaphore, #tpu.memory_space<semaphore_mem>>) src(%dma_wait3A_152 : memref<64x128xf32, #tpu.memory_space<vmem>>) dst(%dma_wait3A_149 : memref<64x128xf32, #tpu.memory_space<hbm>>)
    return
  }
}

module attributes {stable_mosaic.version = 14 : i64} {
  func.func @_lnfc_body(%arg0: i32, %arg1: memref<2048x128xf32, #tpu.memory_space<vmem>>, %arg2: memref<128xf32, #tpu.memory_space<vmem>>, %arg3: memref<128xf32, #tpu.memory_space<vmem>>, %arg4: memref<128x128xf32, #tpu.memory_space<vmem>>, %arg5: memref<128xf32, #tpu.memory_space<vmem>>, %arg6: memref<2048x128xf32, #tpu.memory_space<vmem>>) attributes {dimension_semantics = [#tpu.dimension_semantics<arbitrary>], iteration_bounds = array<i64: 2>, scalar_prefetch = 0 : i64, scratch_operands = 0 : i64, tpu.core_type = #tpu.core_type<tc>, window_params = [{transform_indices = @transform_0, window_bounds = array<i64: 2048, 128>}, {pipeline_mode = #tpu.pipeline_mode<synchronous>, transform_indices = @transform_1, window_bounds = array<i64: 128>}, {pipeline_mode = #tpu.pipeline_mode<synchronous>, transform_indices = @transform_2, window_bounds = array<i64: 128>}, {pipeline_mode = #tpu.pipeline_mode<synchronous>, transform_indices = @transform_3, window_bounds = array<i64: 128, 128>}, {pipeline_mode = #tpu.pipeline_mode<synchronous>, transform_indices = @transform_4, window_bounds = array<i64: 128>}, {transform_indices = @transform_5, window_bounds = array<i64: 2048, 128>}]} {
    %get3A = arith.constant 0 : index
    %get3A_0 = arith.constant 0 : index
    %get3A_1 = vector.load %arg1[%get3A, %get3A_0] : memref<2048x128xf32, #tpu.memory_space<vmem>>, vector<2048x128xf32>
    %reduce_sum3A = arith.constant dense<0.000000e+00> : vector<2048xf32>
    %reduce_sum3A_2 = vector.multi_reduction <add>, %get3A_1, %reduce_sum3A [1] : vector<2048x128xf32> to vector<2048xf32>
    %broadcast_in_dim3A = vector.shape_cast %reduce_sum3A_2 : vector<2048xf32> to vector<2048x1xf32>
    %div3A = arith.constant 1.280000e+02 : f32
    %div3A_3 = vector.broadcast %div3A : f32 to vector<2048x1xf32>
    %div3A_4 = arith.divf %broadcast_in_dim3A, %div3A_3 : vector<2048x1xf32>
    %sub3A = vector.broadcast %div3A_4 : vector<2048x1xf32> to vector<2048x128xf32>
    %sub3A_5 = arith.subf %get3A_1, %sub3A : vector<2048x128xf32>
    %integer_pow3A = arith.mulf %sub3A_5, %sub3A_5 : vector<2048x128xf32>
    %reduce_sum3A_6 = arith.constant dense<0.000000e+00> : vector<2048xf32>
    %reduce_sum3A_7 = vector.multi_reduction <add>, %integer_pow3A, %reduce_sum3A_6 [1] : vector<2048x128xf32> to vector<2048xf32>
    %broadcast_in_dim3A_8 = vector.shape_cast %reduce_sum3A_7 : vector<2048xf32> to vector<2048x1xf32>
    %div3A_9 = arith.constant 1.280000e+02 : f32
    %div3A_10 = vector.broadcast %div3A_9 : f32 to vector<2048x1xf32>
    %div3A_11 = arith.divf %broadcast_in_dim3A_8, %div3A_10 : vector<2048x1xf32>
    %sub3A_12 = vector.broadcast %div3A_4 : vector<2048x1xf32> to vector<2048x128xf32>
    %sub3A_13 = arith.subf %get3A_1, %sub3A_12 : vector<2048x128xf32>
    %add3A = arith.constant 9.99999997E-7 : f32
    %add3A_14 = vector.broadcast %add3A : f32 to vector<2048x1xf32>
    %add3A_15 = arith.addf %div3A_11, %add3A_14 : vector<2048x1xf32>
    %rsqrt3A = math.rsqrt %add3A_15 : vector<2048x1xf32>
    %mul3A = vector.broadcast %rsqrt3A : vector<2048x1xf32> to vector<2048x128xf32>
    %mul3A_16 = arith.mulf %sub3A_13, %mul3A : vector<2048x128xf32>
    %get3A_17 = arith.constant 0 : index
    %get3A_18 = vector.load %arg2[%get3A_17] : memref<128xf32, #tpu.memory_space<vmem>>, vector<128xf32>
    %broadcast_in_dim3A_19 = vector.shape_cast %get3A_18 : vector<128xf32> to vector<1x128xf32>
    %mul3A_20 = vector.broadcast %broadcast_in_dim3A_19 : vector<1x128xf32> to vector<2048x128xf32>
    %mul3A_21 = arith.mulf %mul3A_16, %mul3A_20 : vector<2048x128xf32>
    %get3A_22 = arith.constant 0 : index
    %get3A_23 = vector.load %arg3[%get3A_22] : memref<128xf32, #tpu.memory_space<vmem>>, vector<128xf32>
    %broadcast_in_dim3A_24 = vector.shape_cast %get3A_23 : vector<128xf32> to vector<1x128xf32>
    %add3A_25 = vector.broadcast %broadcast_in_dim3A_24 : vector<1x128xf32> to vector<2048x128xf32>
    %add3A_26 = arith.addf %mul3A_21, %add3A_25 : vector<2048x128xf32>
    %get3A_27 = arith.constant 0 : index
    %get3A_28 = arith.constant 0 : index
    %get3A_29 = vector.load %arg4[%get3A_27, %get3A_28] : memref<128x128xf32, #tpu.memory_space<vmem>>, vector<128x128xf32>
    %dot_general3A = arith.constant dense<0.000000e+00> : vector<2048x128xf32>
    %dot_general3A_30 = tpu.matmul %add3A_26, %get3A_29, %dot_general3A {dimension_numbers = #tpu.dot_dimension_numbers<[1], [1], [0], [0], [0, 0, 1, 0], [], []>, transpose_lhs_hint = false} : vector<2048x128xf32>, vector<128x128xf32>, vector<2048x128xf32> -> vector<2048x128xf32>
    %get3A_31 = arith.constant 0 : index
    %get3A_32 = vector.load %arg5[%get3A_31] : memref<128xf32, #tpu.memory_space<vmem>>, vector<128xf32>
    %broadcast_in_dim3A_33 = vector.shape_cast %get3A_32 : vector<128xf32> to vector<1x128xf32>
    %add3A_34 = vector.broadcast %broadcast_in_dim3A_33 : vector<1x128xf32> to vector<2048x128xf32>
    %add3A_35 = arith.addf %dot_general3A_30, %add3A_34 : vector<2048x128xf32>
    %swap3A = arith.constant 0 : index
    %swap3A_36 = arith.constant 0 : index
    %swap3A_37 = vector.load %arg6[%swap3A, %swap3A_36] : memref<2048x128xf32, #tpu.memory_space<vmem>>, vector<2048x128xf32>
    tpu.vector_store %arg6[%swap3A, %swap3A_36], %add3A_35 {strides = array<i32>} : memref<2048x128xf32, #tpu.memory_space<vmem>>, vector<2048x128xf32>,
    return
  }
  func.func @transform_0(%arg0: i32) -> (i32, i32) {
    %c0_i32 = arith.constant 0 : i32
    %c0_i32_0 = arith.constant 0 : i32
    return %arg0, %c0_i32 : i32, i32
  }
  func.func @transform_1(%arg0: i32) -> i32 {
    %c0_i32 = arith.constant 0 : i32
    %c0_i32_0 = arith.constant 0 : i32
    return %c0_i32 : i32
  }
  func.func @transform_2(%arg0: i32) -> i32 {
    %c0_i32 = arith.constant 0 : i32
    %c0_i32_0 = arith.constant 0 : i32
    return %c0_i32 : i32
  }
  func.func @transform_3(%arg0: i32) -> (i32, i32) {
    %c0_i32 = arith.constant 0 : i32
    %c0_i32_0 = arith.constant 0 : i32
    %c0_i32_1 = arith.constant 0 : i32
    return %c0_i32, %c0_i32_0 : i32, i32
  }
  func.func @transform_4(%arg0: i32) -> i32 {
    %c0_i32 = arith.constant 0 : i32
    %c0_i32_0 = arith.constant 0 : i32
    return %c0_i32 : i32
  }
  func.func @transform_5(%arg0: i32) -> (i32, i32) {
    %c0_i32 = arith.constant 0 : i32
    %c0_i32_0 = arith.constant 0 : i32
    return %arg0, %c0_i32 : i32, i32
  }
}

</mosaic_0001>

<sc_bundles>
// kernel: kernel.4.cloned.1.call-start
scs
__scs_entry_jumppad:
0x0: {  	(pc) =	sbr.rel $0x88, $3  }
0x1: {  	(tag) =	ssettag $0x0;
	lr =	simm.s32 $0x1  }
0x2: {  	[smem:$0x3F9B] =	sst lr;
	_ =	strace $0xD0000000  }
0x3: {  	_ = 	snop  }
0x4: {  	_ = 	snop  }
0x5: {  	_ = 	snop  }
0x6: {  	_ = 	snop  }
0x7: {  	_ = 	snop  }
__scs_overlays_trampoline_lowered:
0x8: {  	[smem:$0x3FAA] =	sst s0  }
0x9: {  	[smem:$0x3FAB] =	sst s1  }
0xa: {  	[smem:$0x3FAC] =	sst s2  }
0xb: {  	[smem:$0x3FAD] =	sst s3  }
0xc: {  	[smem:$0x3FAE] =	sst s4  }
0xd: {  	[smem:$0x3FAF] =	sst s5  }
0xe: {  	[smem:$0x3FB0] =	sst s6  }
0xf: {  	[smem:$0x3FB1] =	sst s7  }
0x10: {  	[smem:$0x3FB2] =	sst s8  }
0x11: {  	[smem:$0x3FB3] =	sst s9;
	s0 =	simm.s32 @!p0 $0x0  }
0x12: {  	s1 =	sld [smem:$0x3F99];
	s0 =	simm.s32 @p0 $0x1  }
0x13: {  	[smem:$0x3FB4] =	sst s0;
	s0 =	simm.s32 @!p1 $0x0  }
0x14: {  	s2 =	sld [smem:$0x3F98];
	s0 =	simm.s32 @p1 $0x1  }
0x15: {  	[smem:$0x3FB5] =	sst s0;
	s0 =	simm.s32 @!p2 $0x0  }
0x16: {  	s3 =	sld [smem:$0x3FDB];
	s0 =	simm.s32 @p2 $0x1  }
0x17: {  	s4 =	simm.s32 $0x1BF5;
	[smem:$0x3FB7] =	sst s0  }
0x18: {  	s0 =	sld [smem:$0x3F9A];
	_ =	swait.ge [sflag:s4], $0x0  }
0x19: {  	s7 =	sld [smem:$0x3F9B]  }
0x1a: {  	s8 =	sadd.s32 $0xFFFFE003, lr  }
0x1b: {  	s9 =	sadd.s32 $0xFFFFFEF7, lr;
	s5 =	simm.s32 $0xFFFFFFFF;
	p2 =	slt.u32 s8, $0xFFFFF086  }
0x1c: {  	p1 =	slt.u32 s9, $0xF7A;
	s5 =	simm.s32 @!p2 $0x0  }
0x1d: {  	s5 =	simm.s32 @p1 $0x1;
	p0 =	seq.s32 s7, s2  }
0x1e: {  	s7 =	smul.u32 @!p0 $0xF7A, s2;
	p2 =	seq.s32 @!p0 s5, $0x0  }
0x1f: {  	s9 =	smul.u32 $0xF7A, s1;
	s8 =	simm.s32 @!p0 $0x1BF5;
	p2 =	por !p2, p0  }
0x20: {  	[sflag:s8] =	ssyncset.s32 @!p0 $0xFFFFF086;
	s6 =	sadd.s32 @!p0 s3, s7;
	s7 =	simm.s32 @!p0 $0x108  }
0x21: {  	s3 =	sadd.s32 s3, s9;
	s6 =	sadd.s32 @!p0 $0x88, s6;
	s7 =	simm.s32 @p2 $0x1082  }
0x22: {  	[simem:s7], [sflag:s8] =	dma.local @!p0 [hbm:s6], $0xF7A  }
0x23: {  	s9 =	sor.u32 $0xD0000000, s2;
	s6 =	simm.s32 $0x108;
	_ =	swait.ge @!p0 [sflag:s8], $0x0  }
0x24: {  	s3 =	sadd.s32 $0x88, s3;
	s6 =	simm.s32 @!p1 $0x1082;
	[sflag:s4] =	ssyncset.s32 $0xFFFFF086  }
0x25: {  	[simem:s6], [sflag:s4] =	dma.local [hbm:s3], $0xF7A  }
0x26: {  	[smem:$0x3F9B] =	sst s1;
	(tag) =	ssettag s2;
	_ =	strace s9  }
0x27: {  	s1 =	sld [smem:$0x3FAB]  }
0x28: {  	s2 =	sld [smem:$0x3FAC]  }
0x29: {  	s4 =	sld [smem:$0x3FAE]  }
0x2a: {  	p0 =	seq.s32 s5, $0x0;
	s5 =	sld [smem:$0x3FAF]  }
0x2b: {  	s6 =	sld [smem:$0x3FB0]  }
0x2c: {  	s7 =	sld [smem:$0x3FB1]  }
0x2d: {  	s3 =	simm.s32 $0x108;
	s8 =	sld [smem:$0x3FB2]  }
0x2e: {  	s3 =	simm.s32 @!p0 $0x1082;
	s9 =	sld [smem:$0x3FB3]  }
0x2f: {  	lr =	sadd.s32 s0, s3;
	s0 =	sld [smem:$0x3FAA]  }
0x30: {  	s3 =	sld [smem:$0x3FAD]  }
0x31: {  	[smem:$0x3FB6] =	sst s10  }
0x32: {  	s10 =	sld [smem:$0x3FB4];
	_ =	sdelay $0x3  }
0x33: {  	p0 =	seq.s32 s10, $0x1;
	s10 =	sld [smem:$0x3FB6];
	_ =	sdelay $0x3  }
0x34: {  	[smem:$0x3FB6] =	sst s10  }
0x35: {  	s10 =	sld [smem:$0x3FB5];
	_ =	sdelay $0x3  }
0x36: {  	p1 =	seq.s32 s10, $0x1;
	s10 =	sld [smem:$0x3FB6];
	_ =	sdelay $0x3  }
0x37: {  	[smem:$0x3FB6] =	sst s10  }
0x38: {  	s10 =	sld [smem:$0x3FB7]  }
0x39: {  	_ = 	snop;
	(pc) =	sbr.ind lr, $3  }
0x3a: {  	_ = 	snop  }
0x3b: {  	_ = 	snop  }
0x3c: {  	p2 =	seq.s32 s10, $0x1;
	s10 =	sld [smem:$0x3FB6]  }
0x3d: {  	_ =	shalt  }
0x3e: {  	_ =	shalt  }
0x3f: {  	_ =	shalt  }
0x40: {  	_ =	shalt  }
0x41: {  	_ =	shalt  }
0x42: {  	_ =	shalt  }
0x43: {  	_ =	shalt  }
0x44: {  	_ =	shalt  }
0x45: {  	_ =	shalt  }
0x46: {  	_ =	shalt  }
0x47: {  	_ =	shalt  }
0x48: {  	_ =	shalt  }
0x49: {  	_ =	shalt  }
0x4a: {  	_ =	shalt  }
0x4b: {  	_ =	shalt  }
0x4c: {  	_ =	shalt  }
0x4d: {  	_ =	shalt  }
0x4e: {  	_ =	shalt  }
0x4f: {  	_ =	shalt  }
0x50: {  	_ =	shalt  }
0x51: {  	_ =	shalt  }
0x52: {  	_ =	shalt  }
0x53: {  	_ =	shalt  }
0x54: {  	_ =	shalt  }
0x55: {  	_ =	shalt  }
0x56: {  	_ =	shalt  }
0x57: {  	_ =	shalt  }
0x58: {  	_ =	shalt  }
0x59: {  	_ =	shalt  }
0x5a: {  	_ =	shalt  }
0x5b: {  	_ =	shalt  }
0x5c: {  	_ =	shalt  }
0x5d: {  	_ =	shalt  }
0x5e: {  	_ =	shalt  }
0x5f: {  	_ =	shalt  }
0x60: {  	_ =	shalt  }
0x61: {  	_ =	shalt  }
0x62: {  	_ =	shalt  }
0x63: {  	_ =	shalt  }
0x64: {  	_ =	shalt  }
0x65: {  	_ =	shalt  }
0x66: {  	_ =	shalt  }
0x67: {  	_ =	shalt  }
0x68: {  	_ =	shalt  }
0x69: {  	_ =	shalt  }
0x6a: {  	_ =	shalt  }
0x6b: {  	_ =	shalt  }
0x6c: {  	_ =	shalt  }
0x6d: {  	_ =	shalt  }
0x6e: {  	_ =	shalt  }
0x6f: {  	_ =	shalt  }
0x70: {  	_ =	shalt  }
0x71: {  	_ =	shalt  }
0x72: {  	_ =	shalt  }
0x73: {  	_ =	shalt  }
0x74: {  	_ =	shalt  }
0x75: {  	_ =	shalt  }
0x76: {  	_ =	shalt  }
0x77: {  	_ =	shalt  }
0x78: {  	_ =	shalt  }
0x79: {  	_ =	shalt  }
0x7a: {  	_ =	shalt  }
0x7b: {  	_ =	shalt  }
0x7c: {  	_ =	shalt  }
0x7d: {  	_ =	shalt  }
0x7e: {  	_ =	shalt  }
0x7f: {  	_ =	shalt  }
0x80: {  	_ =	shalt  }
0x81: {  	_ =	shalt  }
0x82: {  	_ =	shalt  }
0x83: {  	_ =	shalt  }
0x84: {  	_ =	shalt  }
0x85: {  	_ =	shalt  }
0x86: {  	_ =	shalt  }
0x87: {  	_ =	shalt  }
.Lfunc_end0:
.L_simem_size_0:
called_computation_lowered:
.L_overlay_start_0:
0x88: {  	s0 =	sld [smem:$0x3FD9]  }
0x89: {  	s1 =	sld [smem:$0x3FFE];
	_ =	sdelay $0x3  }
0x8a: {  	s0 =	sadd.s32 s1, s0  }
0x8b: {  	[smem:$0x3FC2] =	sst s0  }
0x8c: {  	_ = 	snop  }
0x8d: {  	s0 =	sld [smem:$0x3FC8]  }
0x8e: {  	s16 =	sld [smem:$0x3FD0];
	(tm) =	ssettm $0x1  }
0x8f: {  	s2 =	sld [smem:$0x3FFB];
	_ =	sdelay $0x3  }
0x90: {  	_ =	strace s2  }
0x91: {  	s2 =	sld [smem:$0x3FFC];
	_ =	sdelay $0x3  }
0x92: {  	_ =	strace s2  }
0x93: {  	s2 =	sld [smem:$0x3FFD];
	_ =	sdelay $0x3  }
0x94: {  	_ =	strace s2  }
0x95: {  	_ =	strace $0x8FFFFFFF  }
0x96: {  	s17 =	sld [smem:$0x3FDB];
	_ =	sdelay $0x1  }
0x97: {  	s3 =	simm.s32 $_scs_section_size  }
0x98: {  	s4 =	simm.s32 $_size__tile_overlayer_lowered;
	s5 =	simm.s32 $_tile_overlayer_lowered  }
0x99: {  	s20 =	simm.s32 $0x1BFF;
	s19 =	sshll.u32 s5, $0x1;
	s2 =	sadd.s32 s3, s17  }
0x9a: {  	s6 =	simm.s32 $0x0;
	s18 =	sshll.u32 s4, $0x1;
	s4 =	sadd.s32 s19, s2  }
0x9b: {  	[timem:s6], [sflag:s20] =	dma.local [hbm:s4], s18  }
0x9c: {  	_ =	swait.ge [sflag:s20], s18  }
0x9d: {  	s3 =	ssub.s32 $0x0, s18;
	[sflag:s20] =	ssyncset.done $0x0  }
0x9e: {  	[sflag:s20] =	ssyncadd.s32 s3;
	_ =	sdelay $0x1  }
0x9f: {  	s21 =	simm.s32 $0x1B8B  }
0xa0: {  	_ =	swait.ge [sflag:s21], $0x1  }
0xa1: {  	[sflag:s21] =	ssyncset.done $0x0  }
0xa2: {  	s23 =	simm.s32 $0x1B8E;
	s22 =	sld [smem:$0x3FFE];
	[sflag:s21] =	ssyncadd.s32 $0xFFFFFFFF  }
0xa3: {  	s24 =	simm.s32 $execute0_lowered;
	[smem:$0x3FD2] =	sst s23  }
0xa4: {  	s4 =	sshll.u32 s24, $0x1;
	_ =	strace $0x80000046;
	[dreg:$0x1] =	wrdreg $0xFFFFFFFF  }
0xa5: {  	s25 =	simm.s32 $_size_execute0_lowered;
	s2 =	sadd.s32 s2, s4;
	[dreg:$0x0] =	wrdreg $0x0  }
0xa6: {  	s4 =	sshll.u32 s25, $0x1;
	[dreg:$0x2] =	wrdreg s2  }
0xa7: {  	[dreg:$0x3] =	wrdreg s4  }
0xa8: {  	[dreg:$0x4] =	wrdreg $0xC0  }
0xa9: {  	_ =	task [dreg:s6], $0x5FFFF  }
0xaa: {  	[dreg:$0x1] =	wrdreg $0xFFFFFFFF  }
0xab: {  	[dreg:$0x0] =	wrdreg $0x60  }
0xac: {  	[dreg:$0x2] =	wrdreg s22  }
0xad: {  	[dreg:$0x3] =	wrdreg s0  }
0xae: {  	[dreg:$0x4] =	wrdreg s16  }
0xaf: {  	[dreg:$0x5] =	wrdreg $0x9  }
0xb0: {  	_ =	task.clear_ibuf [dreg:s6], $0x6FFFF;
	_ =	strace $0x90000046  }
0xb1: {  	s26 =	simm.s32 $0x9;
	_ =	strace $0x80000048  }
0xb2: {  	_ =	swait.ge [sflag:s26], $0x1  }
0xb3: {  	[sflag:s26] =	ssyncadd.s32 $0xFFFFFFFF  }
0xb4: {  	_ =	strace $0x90000048  }
0xb5: {  	_ =	sfence  }
0xb6: {  	s28 =	sld [smem:$0x0];
	_ =	sdelay $0x1  }
0xb7: {  	s29 =	srdreg.scid  }
0xb8: {  	s30 =	sshll.u32 s29, $0xD;
	s31 =	sshrl.u32 s29, $0x2  }
0xb9: {  	s1 =	sand.u32 $0x1, s29;
	s2 =	sand.u32 $0x4000, s30;
	s0 =	sadd.s32 s31, s28  }
0xba: {  	s1 =	sor.u32 s2, s1;
	s0 =	sshll.u32 s0, $0x11  }
0xbb: {  	s0 =	sor.u32 s0, s1  }
0xbc: {  	s0 =	sadd.s32 $0x8F2B, s0  }
0xbd: {  	[sflag:s0] =	ssyncadd.remote.s32 $0x1  }
0xbe: {  	_ =	sfence.sel $0xFFFF  }
0xbf: {  	[dreg:$0x0] =	wrdreg $0xFFFFFFFF;
	(pc) =	sbr.abs _section_cstart, $3  }
0xc0: {  	[dreg:$0x1] =	wrdreg $0xFFFFFFFF  }
0xc1: {  	_ =	task.clear_ibuf [dreg:s6], $0x2FFFF;
	_ =	strace $0x9FFFFFFF  }
0xc2: {  	(tm) =	ssettm $0x7FFFFFFF  }
0xc3: {  	_ =	shalt  }
tec
execute0_lowered:
.L_overlay_start_1:
0x0: {  	(tag) =	ssettag $0x1  }
0x1: {  	s1 =	rddreg [dreg:$0x0]  }
0x2: {  	s2 =	rddreg [dreg:$0x1]  }
0x3: {  	s3 =	rddreg [dreg:$0x2];
	s4 =	stileid.u32  }
0x4: {  	s0 =	rddreg [dreg:$0x3];
	s5 =	simm.s32 $0x0;
	s6 =	sshll.u32 s4, $0x5  }
0x5: {  	[smem:$0x7FF] =	sst s5;
	s1 =	sadd.s32 s6, s1  }
0x6: {  	s23 =	simm.s32 $0x3;
	_ =	strace $0x80000047;
	s1 =	sadd.s32 $0xE00, s1  }
0x7: {  	[tilespmem:s5], [sflag:$0x3] =	stream.linear.gather [hbm4b:s1+s5], $0x100, $0x38;
	[tilespmem:$0x8100] =	vst v63  }
0x8: {  	_ =	swait.ge [sflag:s23], $0x100  }
0x9: {  	[sflag:s23] =	ssyncset.done $0x0  }
0xa: {  	s24 =	simm.s32 $0x40;
	s25 =	simm.s32 $0x100;
	[sflag:s23] =	ssyncadd.s32 $0xFFFFFF00  }
0xb: {  	[tilespmem:s25], [sflag:$0x1] =	stream.indirect.gather [hbm4b:s2+s24], $0x80, s5, s24, $0xb8;
	[tilespmem:$0x8100] =	vst v63  }
0xc: {  	s7 =	simm.s32 $0x2100  }
0xd: {  	[tilespmem:s7], [sflag:$0x1] =	stream.indirect.gather [hbm4b:s2+s24], $0x80, s24, s24, $0xb8;
	[tilespmem:$0x8100] =	vst v63  }
0xe: {  	s8 =	simm.s32 $0x80;
	s9 =	simm.s32 $0x4100  }
0xf: {  	[tilespmem:s9], [sflag:$0x1] =	stream.indirect.gather [hbm4b:s2+s24], $0x80, s8, s24, $0xb8;
	[tilespmem:$0x8100] =	vst v63  }
0x10: {  	s26 =	simm.s32 $0xC0;
	s10 =	simm.s32 $0x6100;
	s28 =	simm.s32 $0x1  }
0x11: {  	[tilespmem:s10], [sflag:$0x1] =	stream.indirect.gather [hbm4b:s2+s24], $0x80, s26, s24, $0xb8;
	[tilespmem:$0x8100] =	vst v63  }
0x12: {  	_ =	swait.ge [sflag:s28], $0x2000  }
0x13: {  	s29 =	sshll.u32 s4, $0xC;
	[sflag:s28] =	ssyncset.done $0x0  }
0x14: {  	s2 =	sadd.s32 s3, s29;
	[sflag:s28] =	ssyncadd.s32 $0xFFFFE000  }
0x15: {  	[hbm4b:s2+s5] =	stream.linear.scatter [tilespmem:s25], [sflag:$0x2], $0x2000, $0x38;
	[tilespmem:$0x8100] =	vst v63  }
0x16: {  	_ =	swait.ge [sflag:s28], $0x2000  }
0x17: {  	[sflag:s28] =	ssyncset.done $0x0  }
0x18: {  	s3 =	sadd.s32 $0x400, s2;
	[sflag:s28] =	ssyncadd.s32 $0xFFFFE000  }
0x19: {  	[hbm4b:s3+s5] =	stream.linear.scatter [tilespmem:s7], [sflag:$0x2], $0x2000, $0x38;
	[tilespmem:$0x8100] =	vst v63  }
0x1a: {  	_ =	swait.ge [sflag:s28], $0x2000  }
0x1b: {  	[sflag:s28] =	ssyncset.done $0x0  }
0x1c: {  	s30 =	sadd.s32 $0x800, s2;
	[sflag:s28] =	ssyncadd.s32 $0xFFFFE000  }
0x1d: {  	[hbm4b:s30+s5] =	stream.linear.scatter [tilespmem:s9], [sflag:$0x2], $0x2000, $0x38;
	[tilespmem:$0x8100] =	vst v63  }
0x1e: {  	_ =	swait.ge [sflag:s28], $0x2000  }
0x1f: {  	[sflag:s28] =	ssyncset.done $0x0  }
0x20: {  	s31 =	simm.s32 $0x2;
	s2 =	sadd.s32 $0xC00, s2;
	[sflag:s28] =	ssyncadd.s32 $0xFFFFE000  }
0x21: {  	[hbm4b:s2+s5] =	stream.linear.scatter [tilespmem:s10], [sflag:$0x2], $0x2000, $0x38;
	[tilespmem:$0x8100] =	vst v63  }
0x22: {  	_ =	swait.ge [sflag:s31], $0x2000  }
0x23: {  	[sflag:s31] =	ssyncset.done $0x0  }
0x24: {  	[sflag:s31] =	ssyncadd.s32 $0xFFFFE000  }
0x25: {  	_ =	swait.ge [sflag:s31], $0x2000  }
0x26: {  	[sflag:s31] =	ssyncset.done $0x0  }
0x27: {  	[sflag:s31] =	ssyncadd.s32 $0xFFFFE000  }
0x28: {  	_ =	swait.ge [sflag:s31], $0x2000  }
0x29: {  	[sflag:s31] =	ssyncset.done $0x0  }
0x2a: {  	[sflag:s31] =	ssyncadd.s32 $0xFFFFE000  }
0x2b: {  	_ =	swait.ge [sflag:s31], $0x2000  }
0x2c: {  	[sflag:s31] =	ssyncset.done $0x0  }
0x2d: {  	[sflag:s31] =	ssyncadd.s32 $0xFFFFE000  }
0x2e: {  	_ =	sfence.sel $0x180000  }
0x2f: {  	[bflag:$0x0] =	sbarrier.arrive $0xFFFF  }
0x30: {  	p0 =	sne.s32 s4, $0x0;
	_ =	strace $0x90000047  }
0x31: {  	s0 =	sadd.s32 @!p0 $0x100000, s0;
	[bflag:$0x2] =	sbarrier.arrive $0xFFFF  }
0x32: {  	[sflag:s0] =	ssyncadd.tile.s32 @!p0 $0x1;
	_ =	shalt  }
.Lfunc_end2:
_tile_overlayer_lowered:
.L_overlay_start_2:
0x33: {  	(tag) =	ssettag $0x2  }
0x34: {  	s0 =	rddreg [dreg:$0x0];
	s2 =	stileid.u32  }
0x35: {  	s1 =	rddreg [dreg:$0x1];
	p0 =	sne.s32 s2, $0x0  }
0x36: {  	s3 =	rddreg [dreg:$0x2];
	[bflag:$0x3] =	sbarrier.arrive $0xFFFF;
	s2 =	simm.s32 @!p0 $0x1C03  }
0x37: {  	[timem:s3], [sflag:s2] =	dma.local @!p0 [hbm:s0], s1  }
0x38: {  	s0 =	simm.s32 @!p0 $0x3  }
0x39: {  	_ =	swait.ge @!p0 [sflag:s0], s1  }
0x3a: {  	s1 =	ssub.s32 @!p0 $0x0, s1;
	[sflag:s0] =	ssyncset.done @!p0 $0x0  }
0x3b: {  	[sflag:s0] =	ssyncadd.s32 @!p0 s1  }
0x3c: {  	[bflag:$0x3] =	sbarrier.arrive $0xFFFF  }
0x3d: {  	_ =	shalt  }

</sc_bundles>
